<compile_context>
chip_gen: v7x
topology: tpu7x:2x2x1
jax: 0.10.2.dev20260603
libtpu: 0.0.44.dev20260713+nightly
codegen_flags: <defaults>
</compile_context>

<pallas_src>
import dataclasses

import jax
import jax.numpy as jnp
from jax import lax
from jax.experimental import pallas as pl
from jax.experimental.pallas import tpu as pltpu
from jax.experimental.pallas import tpu_sc as plsc

_ANGSTROM_TO_BOHR = 1.8897261258369282
_CUTOFF = 5.2

_NC, _NS, _L = 2, 16, 16
_NW = _NC * _NS
_CH = 2000


def _rcp(x):
    r = 1.0 / x
    r = r * (2.0 - x * r)
    return r


def _sqrt_newton(x):
    i = plsc.bitcast(x, jnp.int32)
    y = plsc.bitcast(jnp.int32(0x5F3759DF) - (i >> 1), jnp.float32)
    for _ in range(2):
        y = y * (1.5 - 0.5 * x * y * y)
    return x * y


def _make_sc_kernel(n_mol, n_atoms, n_pairs):
    assert n_pairs % (_NW * _CH * 2) == 0
    nchunk = n_pairs // (_NW * _CH)
    nb = ((n_mol + _L - 1) // _L) * _L

    mesh = plsc.VectorSubcoreMesh(
        core_axis_name="c", subcore_axis_name="s",
        num_cores=_NC, num_subcores=_NS)

    inv_rc = 1.0 / (_CUTOFF * _ANGSTROM_TO_BOHR)
    inv_atoms = 1.0 / n_atoms

    def body(elem_hbm, i0_hbm, i1_hbm, d_hbm, y_hbm, sa_hbm, out_hbm,
             elem_v, i0a, i1a, da, i0b, i1b, db, bins, part,
             y16, sa16, sema, semb):
        cid = lax.axis_index("c")
        sid = lax.axis_index("s")
        w = cid * _NS + sid
        base = w * nchunk

        pltpu.sync_copy(y_hbm, y16)
        pltpu.sync_copy(sa_hbm, sa16)
        pltpu.sync_copy(elem_hbm, elem_v)

        zeros16 = jnp.zeros((_L,), jnp.float32)

        @pl.loop(0, _L * nb, step=_L)
        def _(k):
            bins[pl.ds(k, _L)] = zeros16

        lane = lax.iota(jnp.int32, _L)

        def lin(bufs, ch, sem):
            return [pltpu.make_async_copy(i0_hbm.at[ch], bufs[0], sem),
                    pltpu.make_async_copy(i1_hbm.at[ch], bufs[1], sem),
                    pltpu.make_async_copy(d_hbm.at[ch], bufs[2], sem)]

        def fire(bufs, ch, sem):
            for c in lin(bufs, ch, sem):
                c.start()

        def drain(bufs, ch, sem):
            for c in lin(bufs, ch, sem):
                c.wait()

        def compute(bufs):
            i0_v, i1_v, d_v = bufs

            def block(sl):
                i0 = i0_v[sl]
                s0 = i0 & 3
                s1 = i1_v[sl] & 3
                d = jnp.maximum(d_v[sl], 1e-7) * _ANGSTROM_TO_BOHR
                p = s0 * 4 + s1
                e = p.astype(jnp.float32) + d
                bins[pl.ds(0, _L)] = e

            if True:
                return
            unroll = 4
            main = (_CH // (unroll * _L)) * (unroll * _L)

            @pl.loop(0, main, step=unroll * _L)
            def _(ci):
                for u in range(unroll):
                    block(pl.ds(ci + u * _L, _L))

            for ci in range(main, _CH, _L):
                block(pl.ds(ci, _L))

        bufa = (i0a, i1a, da)
        bufb = (i0b, i1b, db)
        fire(bufa, base, sema)

        @pl.loop(0, nchunk // 2)
        def _(t):
            ca = base + 2 * t
            drain(bufa, ca, sema)
            fire(bufb, ca + 1, semb)
            compute(bufa)
            drain(bufb, ca + 1, semb)

            @pl.when(t < nchunk // 2 - 1)
            def _():
                fire(bufa, ca + 2, sema)
            compute(bufb)

        @pl.loop(0, nb, step=_L)
        def _(k):
            acc = bins[pl.ds(k, _L)]
            for l in range(1, _L):
                acc = acc + bins[pl.ds(l * nb + k, _L)]
            part[pl.ds(k, _L)] = acc

        pltpu.sync_copy(part, out_hbm.at[w])

    cp = pltpu.CompilerParams()
    if "needs_layout_passes" in pltpu.CompilerParams.__dataclass_fields__:
        cp = dataclasses.replace(cp, needs_layout_passes=False)

    return pl.kernel(
        body,
        out_type=jax.ShapeDtypeStruct((_NW, nb), jnp.float32),
        mesh=mesh,
        compiler_params=cp,
        scratch_types=[
            pltpu.VMEM((n_mol * n_atoms,), jnp.int32),
            pltpu.VMEM((_CH,), jnp.int32),
            pltpu.VMEM((_CH,), jnp.int32),
            pltpu.VMEM((_CH,), jnp.float32),
            pltpu.VMEM((_CH,), jnp.int32),
            pltpu.VMEM((_CH,), jnp.int32),
            pltpu.VMEM((_CH,), jnp.float32),
            pltpu.VMEM((_L * nb,), jnp.float32),
            pltpu.VMEM((nb,), jnp.float32),
            pltpu.VMEM((16,), jnp.float32),
            pltpu.VMEM((16,), jnp.float32),
            pltpu.SemaphoreType.DMA,
            pltpu.SemaphoreType.DMA,
        ],
    )


@jax.jit
def kernel(element_idxs, neighbor_idxs, distances, y_ab, sqrt_alpha_ab,
           k_rep_ab):
    n_mol, n_atoms = element_idxs.shape
    n_pairs = distances.shape[0]
    elem_flat = element_idxs.reshape(-1)
    i0 = neighbor_idxs[0].reshape(-1, _CH)
    i1 = neighbor_idxs[1].reshape(-1, _CH)
    d = distances.reshape(-1, _CH)
    sc = _make_sc_kernel(n_mol, n_atoms, n_pairs)
    out = sc(elem_flat, i0, i1, d, y_ab.reshape(-1), sqrt_alpha_ab.reshape(-1))
    return jnp.sum(out, axis=0)[:n_mol]

# --- scband reference (transcript-rebuilt; emitter-appended) ---
"""Pipeline reference for scband-repulsion-xtb-56143812494147 (READ-ONLY COPY).

The authoritative reference and input builder live on the scoring server;
editing this copy changes nothing except your own understanding.
"""

import jax
import jax.numpy as jnp
import numpy as np

ANGSTROM_TO_BOHR = 1.8897261258369282
CUTOFF = 5.2

# GFN2-xTB-like repulsion parameters for H, C, N, O
_ALPHA = np.array([2.213717, 1.247655, 1.682689, 1.810431], dtype=np.float32)
_Y_EFF = np.array([1.105388, 4.231078, 5.242592, 5.784415], dtype=np.float32)


def _smooth_cutoff(d, rc):
    m = d / rc
    m_safe = jnp.minimum(m, 0.9999999)
    fc = jnp.exp(1.0 - 1.0 / (1.0 - m_safe * m_safe))
    return jnp.where(m < 1.0, fc, 0.0)


def setup_inputs(seed: int = 0) -> dict:
    key = jax.random.key(seed)
    k1, k2, k3 = jax.random.split(key, 3)
    n_mol, n_atoms = 1000, 100
    n_pairs = 3200000
    element_idxs = jax.random.randint(k1, (n_mol, n_atoms), 0, 4, dtype=jnp.int32)
    neighbor_idxs = jax.random.randint(k2, (2, n_pairs), 0, n_mol * n_atoms, dtype=jnp.int32)
    distances = jax.random.uniform(k3, (n_pairs,), dtype=jnp.float32)
    # learned/buffer parameter tables sized per init (4 symbols)
    alpha = jnp.asarray(_ALPHA)
    y_eff = jnp.asarray(_Y_EFF)
    y_ab = jnp.outer(y_eff, y_eff)
    sqrt_alpha_ab = jnp.sqrt(jnp.outer(alpha, alpha))
    k_rep_ab = jnp.full((4, 4), 1.5, dtype=jnp.float32)
    k_rep_ab = k_rep_ab.at[0, 0].set(1.0)  # H-H pair
    return {
        "element_idxs": element_idxs,
        "neighbor_idxs": neighbor_idxs,
        "distances": distances,
        "y_ab": y_ab,
        "sqrt_alpha_ab": sqrt_alpha_ab,
        "k_rep_ab": k_rep_ab,
    }


def reference(element_idxs, neighbor_idxs, distances, y_ab, sqrt_alpha_ab, k_rep_ab):
    d = jnp.clip(distances, 1e-7, None) * ANGSTROM_TO_BOHR
    num_mols, num_atoms = element_idxs.shape
    species12 = element_idxs.reshape(-1)[neighbor_idxs]  # [2, E]
    y = y_ab[species12[0], species12[1]]
    sa = sqrt_alpha_ab[species12[0], species12[1]]
    kr = k_rep_ab[species12[0], species12[1]]
    prefactor = y / d
    rep_energies = prefactor * jnp.exp(-sa * d ** kr)
    rep_energies = rep_energies * _smooth_cutoff(d, CUTOFF * ANGSTROM_TO_BOHR)
    molecule_indices = neighbor_idxs[0] // num_atoms
    energies = jnp.zeros((num_mols,), dtype=rep_energies.dtype).at[molecule_indices].add(rep_energies)
    return energies

if __name__ == "__main__":
    import jax
    _d = setup_inputs()
    print(jax.jit(kernel)(*tuple(_d.values())))

</pallas_src>

<mosaic_0001>
#map = affine_map<(d0, d1) -> (0)>
#map1 = affine_map<(d0, d1) -> (0, 0)>
module attributes {stable_mosaic.version = 14 : i64} {
  func.func @body(%arg0: i32, %arg1: i32, %arg2: memref<100000xi32, #tpu.memory_space<hbm>>, %arg3: memref<1600x2000xi32, #tpu.memory_space<hbm>>, %arg4: memref<1600x2000xi32, #tpu.memory_space<hbm>>, %arg5: memref<1600x2000xf32, #tpu.memory_space<hbm>>, %arg6: memref<16xf32, #tpu.memory_space<hbm>>, %arg7: memref<16xf32, #tpu.memory_space<hbm>>, %arg8: memref<32x1008xf32, #tpu.memory_space<hbm>>, %arg9: memref<100000xi32, #tpu.memory_space<vmem>>, %arg10: memref<2000xi32, #tpu.memory_space<vmem>>, %arg11: memref<2000xi32, #tpu.memory_space<vmem>>, %arg12: memref<2000xf32, #tpu.memory_space<vmem>>, %arg13: memref<2000xi32, #tpu.memory_space<vmem>>, %arg14: memref<2000xi32, #tpu.memory_space<vmem>>, %arg15: memref<2000xf32, #tpu.memory_space<vmem>>, %arg16: memref<16128xf32, #tpu.memory_space<vmem>>, %arg17: memref<1008xf32, #tpu.memory_space<vmem>>, %arg18: memref<16xf32, #tpu.memory_space<vmem>>, %arg19: memref<16xf32, #tpu.memory_space<vmem>>, %arg20: memref<!tpu.dma_semaphore, #tpu.memory_space<semaphore_mem>>, %arg21: memref<!tpu.dma_semaphore, #tpu.memory_space<semaphore_mem>>) attributes {dimension_semantics = [#tpu.dimension_semantics<core_parallel>, #tpu.dimension_semantics<subcore_parallel>], iteration_bounds = array<i64: 2, 16>, scalar_prefetch = 0 : i64, scratch_operands = 13 : i64, tpu.core_type = #tpu.core_type<sc_vector_subcore>, window_params = [{transform_indices = #map}, {transform_indices = #map1}, {transform_indices = #map1}, {transform_indices = #map1}, {transform_indices = #map}, {transform_indices = #map}, {transform_indices = #map1}]} {
    %mul3A = arith.constant 16 : i32
    %mul3A_0 = arith.muli %arg0, %mul3A : i32
    %add3A = arith.addi %mul3A_0, %arg1 : i32
    %mul3A_1 = arith.constant 50 : i32
    %mul3A_2 = arith.muli %add3A, %mul3A_1 : i32
    "tpu.region"() ({
      %run_scoped3A = tpu.sem_alloc : memref<!tpu.dma_semaphore, #tpu.memory_space<semaphore_mem>>
      tpu.enqueue_dma source(%arg6 : memref<16xf32, #tpu.memory_space<hbm>>) target(%arg18 : memref<16xf32, #tpu.memory_space<vmem>>) target_semaphore(%run_scoped3A : memref<!tpu.dma_semaphore, #tpu.memory_space<semaphore_mem>>)
      tpu.wait_dma2 semaphore(%run_scoped3A : memref<!tpu.dma_semaphore, #tpu.memory_space<semaphore_mem>>) src(%arg6 : memref<16xf32, #tpu.memory_space<hbm>>) dst(%arg18 : memref<16xf32, #tpu.memory_space<vmem>>)
      tpu.yield
    }) : () -> ()
    "tpu.region"() ({
      %run_scoped3A = tpu.sem_alloc : memref<!tpu.dma_semaphore, #tpu.memory_space<semaphore_mem>>
      tpu.enqueue_dma source(%arg7 : memref<16xf32, #tpu.memory_space<hbm>>) target(%arg19 : memref<16xf32, #tpu.memory_space<vmem>>) target_semaphore(%run_scoped3A : memref<!tpu.dma_semaphore, #tpu.memory_space<semaphore_mem>>)
      tpu.wait_dma2 semaphore(%run_scoped3A : memref<!tpu.dma_semaphore, #tpu.memory_space<semaphore_mem>>) src(%arg7 : memref<16xf32, #tpu.memory_space<hbm>>) dst(%arg19 : memref<16xf32, #tpu.memory_space<vmem>>)
      tpu.yield
    }) : () -> ()
    "tpu.region"() ({
      %run_scoped3A = tpu.sem_alloc : memref<!tpu.dma_semaphore, #tpu.memory_space<semaphore_mem>>
      tpu.enqueue_dma source(%arg2 : memref<100000xi32, #tpu.memory_space<hbm>>) target(%arg9 : memref<100000xi32, #tpu.memory_space<vmem>>) target_semaphore(%run_scoped3A : memref<!tpu.dma_semaphore, #tpu.memory_space<semaphore_mem>>)
      tpu.wait_dma2 semaphore(%run_scoped3A : memref<!tpu.dma_semaphore, #tpu.memory_space<semaphore_mem>>) src(%arg2 : memref<100000xi32, #tpu.memory_space<hbm>>) dst(%arg9 : memref<100000xi32, #tpu.memory_space<vmem>>)
      tpu.yield
    }) : () -> ()
    %broadcast_in_dim3A = arith.constant 0.000000e+00 : f32
    %broadcast_in_dim3A_3 = vector.broadcast %broadcast_in_dim3A : f32 to vector<16xf32>
    %scan3A = arith.constant 0 : i32
    %scan3A_4 = arith.constant 1008 : i32
    %scan3A_5 = arith.addi %scan3A, %scan3A_4 : i32
    %scan3A_6 = arith.constant 1 : i32
    scf.for %scan3A_35 = %scan3A to %scan3A_5 step %scan3A_6  : i32 {
      %mul3A_36 = arith.constant 16 : i32
      %mul3A_37 = arith.muli %scan3A_35, %mul3A_36 : i32
      %add3A_38 = arith.constant 0 : i32
      %add3A_39 = arith.addi %add3A_38, %mul3A_37 : i32
      %swap3A = arith.index_cast %add3A_39 : i32 to index
      %swap3A_40 = tpu.vector_load %arg16[%swap3A] {strides = array<i32>} : memref<16128xf32, #tpu.memory_space<vmem>>, vector<16xf32>,
      tpu.vector_store %arg16[%swap3A], %broadcast_in_dim3A_3 {strides = array<i32>} : memref<16128xf32, #tpu.memory_space<vmem>>, vector<16xf32>,
    }
    %scan3A_7 = arith.constant 1008 : i32
    %iota3A = tpu.iota {dimensions = array<i32: 0>} : vector<16xi32>
    %dma_start3A = arith.constant 0 : i32
    %dma_start3A_8 = tpu.memref_slice %arg3[%mul3A_2, %dma_start3A] : memref<1600x2000xi32, #tpu.memory_space<hbm>> -> memref<1x2000xi32, #tpu.memory_space<hbm>>
    %dma_start3A_9 = tpu.memref_squeeze %dma_start3A_8 : memref<1x2000xi32, #tpu.memory_space<hbm>> -> memref<2000xi32, #tpu.memory_space<hbm>>
    %dma_start3A_10 = arith.constant 0 : i32
    %dma_start3A_11 = tpu.memref_slice %arg3[%mul3A_2, %dma_start3A_10] : memref<1600x2000xi32, #tpu.memory_space<hbm>> -> memref<1x2000xi32, #tpu.memory_space<hbm>>
    %dma_start3A_12 = tpu.memref_squeeze %dma_start3A_11 : memref<1x2000xi32, #tpu.memory_space<hbm>> -> memref<2000xi32, #tpu.memory_space<hbm>>
    tpu.enqueue_dma source(%dma_start3A_12 : memref<2000xi32, #tpu.memory_space<hbm>>) target(%arg10 : memref<2000xi32, #tpu.memory_space<vmem>>) target_semaphore(%arg20 : memref<!tpu.dma_semaphore, #tpu.memory_space<semaphore_mem>>)
    %dma_start3A_13 = arith.constant 0 : i32
    %dma_start3A_14 = tpu.memref_slice %arg4[%mul3A_2, %dma_start3A_13] : memref<1600x2000xi32, #tpu.memory_space<hbm>> -> memref<1x2000xi32, #tpu.memory_space<hbm>>
    %dma_start3A_15 = tpu.memref_squeeze %dma_start3A_14 : memref<1x2000xi32, #tpu.memory_space<hbm>> -> memref<2000xi32, #tpu.memory_space<hbm>>
    %dma_start3A_16 = arith.constant 0 : i32
    %dma_start3A_17 = tpu.memref_slice %arg4[%mul3A_2, %dma_start3A_16] : memref<1600x2000xi32, #tpu.memory_space<hbm>> -> memref<1x2000xi32, #tpu.memory_space<hbm>>
    %dma_start3A_18 = tpu.memref_squeeze %dma_start3A_17 : memref<1x2000xi32, #tpu.memory_space<hbm>> -> memref<2000xi32, #tpu.memory_space<hbm>>
    tpu.enqueue_dma source(%dma_start3A_18 : memref<2000xi32, #tpu.memory_space<hbm>>) target(%arg11 : memref<2000xi32, #tpu.memory_space<vmem>>) target_semaphore(%arg20 : memref<!tpu.dma_semaphore, #tpu.memory_space<semaphore_mem>>)
    %dma_start3A_19 = arith.constant 0 : i32
    %dma_start3A_20 = tpu.memref_slice %arg5[%mul3A_2, %dma_start3A_19] : memref<1600x2000xf32, #tpu.memory_space<hbm>> -> memref<1x2000xf32, #tpu.memory_space<hbm>>
    %dma_start3A_21 = tpu.memref_squeeze %dma_start3A_20 : memref<1x2000xf32, #tpu.memory_space<hbm>> -> memref<2000xf32, #tpu.memory_space<hbm>>
    %dma_start3A_22 = arith.constant 0 : i32
    %dma_start3A_23 = tpu.memref_slice %arg5[%mul3A_2, %dma_start3A_22] : memref<1600x2000xf32, #tpu.memory_space<hbm>> -> memref<1x2000xf32, #tpu.memory_space<hbm>>
    %dma_start3A_24 = tpu.memref_squeeze %dma_start3A_23 : memref<1x2000xf32, #tpu.memory_space<hbm>> -> memref<2000xf32, #tpu.memory_space<hbm>>
    tpu.enqueue_dma source(%dma_start3A_24 : memref<2000xf32, #tpu.memory_space<hbm>>) target(%arg12 : memref<2000xf32, #tpu.memory_space<vmem>>) target_semaphore(%arg20 : memref<!tpu.dma_semaphore, #tpu.memory_space<semaphore_mem>>)
    %scan3A_25 = arith.constant 0 : i32
    %scan3A_26 = arith.constant 25 : i32
    %scan3A_27 = arith.addi %scan3A_25, %scan3A_26 : i32
    %scan3A_28 = arith.constant 1 : i32
    scf.for %scan3A_35 = %scan3A_25 to %scan3A_27 step %scan3A_28  : i32 {
      %mul3A_36 = arith.constant 1 : i32
      %mul3A_37 = arith.muli %scan3A_35, %mul3A_36 : i32
      %add3A_38 = arith.constant 0 : i32
      %add3A_39 = arith.addi %add3A_38, %mul3A_37 : i32
      %mul3A_40 = arith.constant 2 : i32
      %mul3A_41 = arith.muli %mul3A_40, %add3A_39 : i32
      %add3A_42 = arith.addi %mul3A_2, %mul3A_41 : i32
      %dma_wait3A = arith.constant 0 : i32
      %dma_wait3A_43 = tpu.memref_slice %arg3[%add3A_42, %dma_wait3A] : memref<1600x2000xi32, #tpu.memory_space<hbm>> -> memref<1x2000xi32, #tpu.memory_space<hbm>>
      %dma_wait3A_44 = tpu.memref_squeeze %dma_wait3A_43 : memref<1x2000xi32, #tpu.memory_space<hbm>> -> memref<2000xi32, #tpu.memory_space<hbm>>
      %dma_wait3A_45 = arith.constant 0 : i32
      %dma_wait3A_46 = tpu.memref_slice %arg3[%add3A_42, %dma_wait3A_45] : memref<1600x2000xi32, #tpu.memory_space<hbm>> -> memref<1x2000xi32, #tpu.memory_space<hbm>>
      %dma_wait3A_47 = tpu.memref_squeeze %dma_wait3A_46 : memref<1x2000xi32, #tpu.memory_space<hbm>> -> memref<2000xi32, #tpu.memory_space<hbm>>
      tpu.wait_dma2 semaphore(%arg20 : memref<!tpu.dma_semaphore, #tpu.memory_space<semaphore_mem>>) src(%dma_wait3A_47 : memref<2000xi32, #tpu.memory_space<hbm>>) dst(%arg10 : memref<2000xi32, #tpu.memory_space<vmem>>)
      %dma_wait3A_48 = arith.constant 0 : i32
      %dma_wait3A_49 = tpu.memref_slice %arg4[%add3A_42, %dma_wait3A_48] : memref<1600x2000xi32, #tpu.memory_space<hbm>> -> memref<1x2000xi32, #tpu.memory_space<hbm>>
      %dma_wait3A_50 = tpu.memref_squeeze %dma_wait3A_49 : memref<1x2000xi32, #tpu.memory_space<hbm>> -> memref<2000xi32, #tpu.memory_space<hbm>>
      %dma_wait3A_51 = arith.constant 0 : i32
      %dma_wait3A_52 = tpu.memref_slice %arg4[%add3A_42, %dma_wait3A_51] : memref<1600x2000xi32, #tpu.memory_space<hbm>> -> memref<1x2000xi32, #tpu.memory_space<hbm>>
      %dma_wait3A_53 = tpu.memref_squeeze %dma_wait3A_52 : memref<1x2000xi32, #tpu.memory_space<hbm>> -> memref<2000xi32, #tpu.memory_space<hbm>>
      tpu.wait_dma2 semaphore(%arg20 : memref<!tpu.dma_semaphore, #tpu.memory_space<semaphore_mem>>) src(%dma_wait3A_53 : memref<2000xi32, #tpu.memory_space<hbm>>) dst(%arg11 : memref<2000xi32, #tpu.memory_space<vmem>>)
      %dma_wait3A_54 = arith.constant 0 : i32
      %dma_wait3A_55 = tpu.memref_slice %arg5[%add3A_42, %dma_wait3A_54] : memref<1600x2000xf32, #tpu.memory_space<hbm>> -> memref<1x2000xf32, #tpu.memory_space<hbm>>
      %dma_wait3A_56 = tpu.memref_squeeze %dma_wait3A_55 : memref<1x2000xf32, #tpu.memory_space<hbm>> -> memref<2000xf32, #tpu.memory_space<hbm>>
      %dma_wait3A_57 = arith.constant 0 : i32
      %dma_wait3A_58 = tpu.memref_slice %arg5[%add3A_42, %dma_wait3A_57] : memref<1600x2000xf32, #tpu.memory_space<hbm>> -> memref<1x2000xf32, #tpu.memory_space<hbm>>
      %dma_wait3A_59 = tpu.memref_squeeze %dma_wait3A_58 : memref<1x2000xf32, #tpu.memory_space<hbm>> -> memref<2000xf32, #tpu.memory_space<hbm>>
      tpu.wait_dma2 semaphore(%arg20 : memref<!tpu.dma_semaphore, #tpu.memory_space<semaphore_mem>>) src(%dma_wait3A_59 : memref<2000xf32, #tpu.memory_space<hbm>>) dst(%arg12 : memref<2000xf32, #tpu.memory_space<vmem>>)
      %add3A_60 = arith.constant 1 : i32
      %add3A_61 = arith.addi %add3A_42, %add3A_60 : i32
      %dma_start3A_62 = arith.constant 0 : i32
      %dma_start3A_63 = tpu.memref_slice %arg3[%add3A_61, %dma_start3A_62] : memref<1600x2000xi32, #tpu.memory_space<hbm>> -> memref<1x2000xi32, #tpu.memory_space<hbm>>
      %dma_start3A_64 = tpu.memref_squeeze %dma_start3A_63 : memref<1x2000xi32, #tpu.memory_space<hbm>> -> memref<2000xi32, #tpu.memory_space<hbm>>
      %dma_start3A_65 = arith.constant 0 : i32
      %dma_start3A_66 = tpu.memref_slice %arg3[%add3A_61, %dma_start3A_65] : memref<1600x2000xi32, #tpu.memory_space<hbm>> -> memref<1x2000xi32, #tpu.memory_space<hbm>>
      %dma_start3A_67 = tpu.memref_squeeze %dma_start3A_66 : memref<1x2000xi32, #tpu.memory_space<hbm>> -> memref<2000xi32, #tpu.memory_space<hbm>>
      tpu.enqueue_dma source(%dma_start3A_67 : memref<2000xi32, #tpu.memory_space<hbm>>) target(%arg13 : memref<2000xi32, #tpu.memory_space<vmem>>) target_semaphore(%arg21 : memref<!tpu.dma_semaphore, #tpu.memory_space<semaphore_mem>>)
      %dma_start3A_68 = arith.constant 0 : i32
      %dma_start3A_69 = tpu.memref_slice %arg4[%add3A_61, %dma_start3A_68] : memref<1600x2000xi32, #tpu.memory_space<hbm>> -> memref<1x2000xi32, #tpu.memory_space<hbm>>
      %dma_start3A_70 = tpu.memref_squeeze %dma_start3A_69 : memref<1x2000xi32, #tpu.memory_space<hbm>> -> memref<2000xi32, #tpu.memory_space<hbm>>
      %dma_start3A_71 = arith.constant 0 : i32
      %dma_start3A_72 = tpu.memref_slice %arg4[%add3A_61, %dma_start3A_71] : memref<1600x2000xi32, #tpu.memory_space<hbm>> -> memref<1x2000xi32, #tpu.memory_space<hbm>>
      %dma_start3A_73 = tpu.memref_squeeze %dma_start3A_72 : memref<1x2000xi32, #tpu.memory_space<hbm>> -> memref<2000xi32, #tpu.memory_space<hbm>>
      tpu.enqueue_dma source(%dma_start3A_73 : memref<2000xi32, #tpu.memory_space<hbm>>) target(%arg14 : memref<2000xi32, #tpu.memory_space<vmem>>) target_semaphore(%arg21 : memref<!tpu.dma_semaphore, #tpu.memory_space<semaphore_mem>>)
      %dma_start3A_74 = arith.constant 0 : i32
      %dma_start3A_75 = tpu.memref_slice %arg5[%add3A_61, %dma_start3A_74] : memref<1600x2000xf32, #tpu.memory_space<hbm>> -> memref<1x2000xf32, #tpu.memory_space<hbm>>
      %dma_start3A_76 = tpu.memref_squeeze %dma_start3A_75 : memref<1x2000xf32, #tpu.memory_space<hbm>> -> memref<2000xf32, #tpu.memory_space<hbm>>
      %dma_start3A_77 = arith.constant 0 : i32
      %dma_start3A_78 = tpu.memref_slice %arg5[%add3A_61, %dma_start3A_77] : memref<1600x2000xf32, #tpu.memory_space<hbm>> -> memref<1x2000xf32, #tpu.memory_space<hbm>>
      %dma_start3A_79 = tpu.memref_squeeze %dma_start3A_78 : memref<1x2000xf32, #tpu.memory_space<hbm>> -> memref<2000xf32, #tpu.memory_space<hbm>>
      tpu.enqueue_dma source(%dma_start3A_79 : memref<2000xf32, #tpu.memory_space<hbm>>) target(%arg15 : memref<2000xf32, #tpu.memory_space<vmem>>) target_semaphore(%arg21 : memref<!tpu.dma_semaphore, #tpu.memory_space<semaphore_mem>>)
      %add3A_80 = arith.constant 1 : i32
      %add3A_81 = arith.addi %add3A_42, %add3A_80 : i32
      %dma_wait3A_82 = arith.constant 0 : i32
      %dma_wait3A_83 = tpu.memref_slice %arg3[%add3A_81, %dma_wait3A_82] : memref<1600x2000xi32, #tpu.memory_space<hbm>> -> memref<1x2000xi32, #tpu.memory_space<hbm>>
      %dma_wait3A_84 = tpu.memref_squeeze %dma_wait3A_83 : memref<1x2000xi32, #tpu.memory_space<hbm>> -> memref<2000xi32, #tpu.memory_space<hbm>>
      %dma_wait3A_85 = arith.constant 0 : i32
      %dma_wait3A_86 = tpu.memref_slice %arg3[%add3A_81, %dma_wait3A_85] : memref<1600x2000xi32, #tpu.memory_space<hbm>> -> memref<1x2000xi32, #tpu.memory_space<hbm>>
      %dma_wait3A_87 = tpu.memref_squeeze %dma_wait3A_86 : memref<1x2000xi32, #tpu.memory_space<hbm>> -> memref<2000xi32, #tpu.memory_space<hbm>>
      tpu.wait_dma2 semaphore(%arg21 : memref<!tpu.dma_semaphore, #tpu.memory_space<semaphore_mem>>) src(%dma_wait3A_87 : memref<2000xi32, #tpu.memory_space<hbm>>) dst(%arg13 : memref<2000xi32, #tpu.memory_space<vmem>>)
      %dma_wait3A_88 = arith.constant 0 : i32
      %dma_wait3A_89 = tpu.memref_slice %arg4[%add3A_81, %dma_wait3A_88] : memref<1600x2000xi32, #tpu.memory_space<hbm>> -> memref<1x2000xi32, #tpu.memory_space<hbm>>
      %dma_wait3A_90 = tpu.memref_squeeze %dma_wait3A_89 : memref<1x2000xi32, #tpu.memory_space<hbm>> -> memref<2000xi32, #tpu.memory_space<hbm>>
      %dma_wait3A_91 = arith.constant 0 : i32
      %dma_wait3A_92 = tpu.memref_slice %arg4[%add3A_81, %dma_wait3A_91] : memref<1600x2000xi32, #tpu.memory_space<hbm>> -> memref<1x2000xi32, #tpu.memory_space<hbm>>
      %dma_wait3A_93 = tpu.memref_squeeze %dma_wait3A_92 : memref<1x2000xi32, #tpu.memory_space<hbm>> -> memref<2000xi32, #tpu.memory_space<hbm>>
      tpu.wait_dma2 semaphore(%arg21 : memref<!tpu.dma_semaphore, #tpu.memory_space<semaphore_mem>>) src(%dma_wait3A_93 : memref<2000xi32, #tpu.memory_space<hbm>>) dst(%arg14 : memref<2000xi32, #tpu.memory_space<vmem>>)
      %dma_wait3A_94 = arith.constant 0 : i32
      %dma_wait3A_95 = tpu.memref_slice %arg5[%add3A_81, %dma_wait3A_94] : memref<1600x2000xf32, #tpu.memory_space<hbm>> -> memref<1x2000xf32, #tpu.memory_space<hbm>>
      %dma_wait3A_96 = tpu.memref_squeeze %dma_wait3A_95 : memref<1x2000xf32, #tpu.memory_space<hbm>> -> memref<2000xf32, #tpu.memory_space<hbm>>
      %dma_wait3A_97 = arith.constant 0 : i32
      %dma_wait3A_98 = tpu.memref_slice %arg5[%add3A_81, %dma_wait3A_97] : memref<1600x2000xf32, #tpu.memory_space<hbm>> -> memref<1x2000xf32, #tpu.memory_space<hbm>>
      %dma_wait3A_99 = tpu.memref_squeeze %dma_wait3A_98 : memref<1x2000xf32, #tpu.memory_space<hbm>> -> memref<2000xf32, #tpu.memory_space<hbm>>
      tpu.wait_dma2 semaphore(%arg21 : memref<!tpu.dma_semaphore, #tpu.memory_space<semaphore_mem>>) src(%dma_wait3A_99 : memref<2000xf32, #tpu.memory_space<hbm>>) dst(%arg15 : memref<2000xf32, #tpu.memory_space<vmem>>)
      %lt3A = arith.constant 24 : i32
      %lt3A_100 = arith.cmpi slt, %add3A_39, %lt3A : i32
      %convert_element_type3A = arith.extui %lt3A_100 : i1 to i32
      %cond3A = arith.constant 0 : i32
      %cond3A_101 = arith.cmpi ne, %convert_element_type3A, %cond3A : i32
      scf.if %cond3A_101 {
        %add3A_102 = arith.constant 2 : i32
        %add3A_103 = arith.addi %add3A_42, %add3A_102 : i32
        %dma_start3A_104 = arith.constant 0 : i32
        %dma_start3A_105 = tpu.memref_slice %arg3[%add3A_103, %dma_start3A_104] : memref<1600x2000xi32, #tpu.memory_space<hbm>> -> memref<1x2000xi32, #tpu.memory_space<hbm>>
        %dma_start3A_106 = tpu.memref_squeeze %dma_start3A_105 : memref<1x2000xi32, #tpu.memory_space<hbm>> -> memref<2000xi32, #tpu.memory_space<hbm>>
        %dma_start3A_107 = arith.constant 0 : i32
        %dma_start3A_108 = tpu.memref_slice %arg3[%add3A_103, %dma_start3A_107] : memref<1600x2000xi32, #tpu.memory_space<hbm>> -> memref<1x2000xi32, #tpu.memory_space<hbm>>
        %dma_start3A_109 = tpu.memref_squeeze %dma_start3A_108 : memref<1x2000xi32, #tpu.memory_space<hbm>> -> memref<2000xi32, #tpu.memory_space<hbm>>
        tpu.enqueue_dma source(%dma_start3A_109 : memref<2000xi32, #tpu.memory_space<hbm>>) target(%arg10 : memref<2000xi32, #tpu.memory_space<vmem>>) target_semaphore(%arg20 : memref<!tpu.dma_semaphore, #tpu.memory_space<semaphore_mem>>)
        %dma_start3A_110 = arith.constant 0 : i32
        %dma_start3A_111 = tpu.memref_slice %arg4[%add3A_103, %dma_start3A_110] : memref<1600x2000xi32, #tpu.memory_space<hbm>> -> memref<1x2000xi32, #tpu.memory_space<hbm>>
        %dma_start3A_112 = tpu.memref_squeeze %dma_start3A_111 : memref<1x2000xi32, #tpu.memory_space<hbm>> -> memref<2000xi32, #tpu.memory_space<hbm>>
        %dma_start3A_113 = arith.constant 0 : i32
        %dma_start3A_114 = tpu.memref_slice %arg4[%add3A_103, %dma_start3A_113] : memref<1600x2000xi32, #tpu.memory_space<hbm>> -> memref<1x2000xi32, #tpu.memory_space<hbm>>
        %dma_start3A_115 = tpu.memref_squeeze %dma_start3A_114 : memref<1x2000xi32, #tpu.memory_space<hbm>> -> memref<2000xi32, #tpu.memory_space<hbm>>
        tpu.enqueue_dma source(%dma_start3A_115 : memref<2000xi32, #tpu.memory_space<hbm>>) target(%arg11 : memref<2000xi32, #tpu.memory_space<vmem>>) target_semaphore(%arg20 : memref<!tpu.dma_semaphore, #tpu.memory_space<semaphore_mem>>)
        %dma_start3A_116 = arith.constant 0 : i32
        %dma_start3A_117 = tpu.memref_slice %arg5[%add3A_103, %dma_start3A_116] : memref<1600x2000xf32, #tpu.memory_space<hbm>> -> memref<1x2000xf32, #tpu.memory_space<hbm>>
        %dma_start3A_118 = tpu.memref_squeeze %dma_start3A_117 : memref<1x2000xf32, #tpu.memory_space<hbm>> -> memref<2000xf32, #tpu.memory_space<hbm>>
        %dma_start3A_119 = arith.constant 0 : i32
        %dma_start3A_120 = tpu.memref_slice %arg5[%add3A_103, %dma_start3A_119] : memref<1600x2000xf32, #tpu.memory_space<hbm>> -> memref<1x2000xf32, #tpu.memory_space<hbm>>
        %dma_start3A_121 = tpu.memref_squeeze %dma_start3A_120 : memref<1x2000xf32, #tpu.memory_space<hbm>> -> memref<2000xf32, #tpu.memory_space<hbm>>
        tpu.enqueue_dma source(%dma_start3A_121 : memref<2000xf32, #tpu.memory_space<hbm>>) target(%arg12 : memref<2000xf32, #tpu.memory_space<vmem>>) target_semaphore(%arg20 : memref<!tpu.dma_semaphore, #tpu.memory_space<semaphore_mem>>)
      } else {
      }
    }
    %scan3A_29 = arith.constant 25 : i32
    %scan3A_30 = arith.constant 0 : i32
    %scan3A_31 = arith.constant 63 : i32
    %scan3A_32 = arith.addi %scan3A_30, %scan3A_31 : i32
    %scan3A_33 = arith.constant 1 : i32
    scf.for %scan3A_35 = %scan3A_30 to %scan3A_32 step %scan3A_33  : i32 {
      %mul3A_36 = arith.constant 16 : i32
      %mul3A_37 = arith.muli %scan3A_35, %mul3A_36 : i32
      %add3A_38 = arith.constant 0 : i32
      %add3A_39 = arith.addi %add3A_38, %mul3A_37 : i32
      %get3A = arith.index_cast %add3A_39 : i32 to index
      %get3A_40 = tpu.vector_load %arg16[%get3A] {strides = array<i32>} : memref<16128xf32, #tpu.memory_space<vmem>>, vector<16xf32>,
      %add3A_41 = arith.constant 1008 : i32
      %add3A_42 = arith.addi %add3A_41, %add3A_39 : i32
      %get3A_43 = arith.index_cast %add3A_42 : i32 to index
      %get3A_44 = tpu.vector_load %arg16[%get3A_43] {strides = array<i32>} : memref<16128xf32, #tpu.memory_space<vmem>>, vector<16xf32>,
      %add3A_45 = arith.addf %get3A_40, %get3A_44 : vector<16xf32>
      %add3A_46 = arith.constant 2016 : i32
      %add3A_47 = arith.addi %add3A_46, %add3A_39 : i32
      %get3A_48 = arith.index_cast %add3A_47 : i32 to index
      %get3A_49 = tpu.vector_load %arg16[%get3A_48] {strides = array<i32>} : memref<16128xf32, #tpu.memory_space<vmem>>, vector<16xf32>,
      %add3A_50 = arith.addf %add3A_45, %get3A_49 : vector<16xf32>
      %add3A_51 = arith.constant 3024 : i32
      %add3A_52 = arith.addi %add3A_51, %add3A_39 : i32
      %get3A_53 = arith.index_cast %add3A_52 : i32 to index
      %get3A_54 = tpu.vector_load %arg16[%get3A_53] {strides = array<i32>} : memref<16128xf32, #tpu.memory_space<vmem>>, vector<16xf32>,
      %add3A_55 = arith.addf %add3A_50, %get3A_54 : vector<16xf32>
      %add3A_56 = arith.constant 4032 : i32
      %add3A_57 = arith.addi %add3A_56, %add3A_39 : i32
      %get3A_58 = arith.index_cast %add3A_57 : i32 to index
      %get3A_59 = tpu.vector_load %arg16[%get3A_58] {strides = array<i32>} : memref<16128xf32, #tpu.memory_space<vmem>>, vector<16xf32>,
      %add3A_60 = arith.addf %add3A_55, %get3A_59 : vector<16xf32>
      %add3A_61 = arith.constant 5040 : i32
      %add3A_62 = arith.addi %add3A_61, %add3A_39 : i32
      %get3A_63 = arith.index_cast %add3A_62 : i32 to index
      %get3A_64 = tpu.vector_load %arg16[%get3A_63] {strides = array<i32>} : memref<16128xf32, #tpu.memory_space<vmem>>, vector<16xf32>,
      %add3A_65 = arith.addf %add3A_60, %get3A_64 : vector<16xf32>
      %add3A_66 = arith.constant 6048 : i32
      %add3A_67 = arith.addi %add3A_66, %add3A_39 : i32
      %get3A_68 = arith.index_cast %add3A_67 : i32 to index
      %get3A_69 = tpu.vector_load %arg16[%get3A_68] {strides = array<i32>} : memref<16128xf32, #tpu.memory_space<vmem>>, vector<16xf32>,
      %add3A_70 = arith.addf %add3A_65, %get3A_69 : vector<16xf32>
      %add3A_71 = arith.constant 7056 : i32
      %add3A_72 = arith.addi %add3A_71, %add3A_39 : i32
      %get3A_73 = arith.index_cast %add3A_72 : i32 to index
      %get3A_74 = tpu.vector_load %arg16[%get3A_73] {strides = array<i32>} : memref<16128xf32, #tpu.memory_space<vmem>>, vector<16xf32>,
      %add3A_75 = arith.addf %add3A_70, %get3A_74 : vector<16xf32>
      %add3A_76 = arith.constant 8064 : i32
      %add3A_77 = arith.addi %add3A_76, %add3A_39 : i32
      %get3A_78 = arith.index_cast %add3A_77 : i32 to index
      %get3A_79 = tpu.vector_load %arg16[%get3A_78] {strides = array<i32>} : memref<16128xf32, #tpu.memory_space<vmem>>, vector<16xf32>,
      %add3A_80 = arith.addf %add3A_75, %get3A_79 : vector<16xf32>
      %add3A_81 = arith.constant 9072 : i32
      %add3A_82 = arith.addi %add3A_81, %add3A_39 : i32
      %get3A_83 = arith.index_cast %add3A_82 : i32 to index
      %get3A_84 = tpu.vector_load %arg16[%get3A_83] {strides = array<i32>} : memref<16128xf32, #tpu.memory_space<vmem>>, vector<16xf32>,
      %add3A_85 = arith.addf %add3A_80, %get3A_84 : vector<16xf32>
      %add3A_86 = arith.constant 10080 : i32
      %add3A_87 = arith.addi %add3A_86, %add3A_39 : i32
      %get3A_88 = arith.index_cast %add3A_87 : i32 to index
      %get3A_89 = tpu.vector_load %arg16[%get3A_88] {strides = array<i32>} : memref<16128xf32, #tpu.memory_space<vmem>>, vector<16xf32>,
      %add3A_90 = arith.addf %add3A_85, %get3A_89 : vector<16xf32>
      %add3A_91 = arith.constant 11088 : i32
      %add3A_92 = arith.addi %add3A_91, %add3A_39 : i32
      %get3A_93 = arith.index_cast %add3A_92 : i32 to index
      %get3A_94 = tpu.vector_load %arg16[%get3A_93] {strides = array<i32>} : memref<16128xf32, #tpu.memory_space<vmem>>, vector<16xf32>,
      %add3A_95 = arith.addf %add3A_90, %get3A_94 : vector<16xf32>
      %add3A_96 = arith.constant 12096 : i32
      %add3A_97 = arith.addi %add3A_96, %add3A_39 : i32
      %get3A_98 = arith.index_cast %add3A_97 : i32 to index
      %get3A_99 = tpu.vector_load %arg16[%get3A_98] {strides = array<i32>} : memref<16128xf32, #tpu.memory_space<vmem>>, vector<16xf32>,
      %add3A_100 = arith.addf %add3A_95, %get3A_99 : vector<16xf32>
      %add3A_101 = arith.constant 13104 : i32
      %add3A_102 = arith.addi %add3A_101, %add3A_39 : i32
      %get3A_103 = arith.index_cast %add3A_102 : i32 to index
      %get3A_104 = tpu.vector_load %arg16[%get3A_103] {strides = array<i32>} : memref<16128xf32, #tpu.memory_space<vmem>>, vector<16xf32>,
      %add3A_105 = arith.addf %add3A_100, %get3A_104 : vector<16xf32>
      %add3A_106 = arith.constant 14112 : i32
      %add3A_107 = arith.addi %add3A_106, %add3A_39 : i32
      %get3A_108 = arith.index_cast %add3A_107 : i32 to index
      %get3A_109 = tpu.vector_load %arg16[%get3A_108] {strides = array<i32>} : memref<16128xf32, #tpu.memory_space<vmem>>, vector<16xf32>,
      %add3A_110 = arith.addf %add3A_105, %get3A_109 : vector<16xf32>
      %add3A_111 = arith.constant 15120 : i32
      %add3A_112 = arith.addi %add3A_111, %add3A_39 : i32
      %get3A_113 = arith.index_cast %add3A_112 : i32 to index
      %get3A_114 = tpu.vector_load %arg16[%get3A_113] {strides = array<i32>} : memref<16128xf32, #tpu.memory_space<vmem>>, vector<16xf32>,
      %add3A_115 = arith.addf %add3A_110, %get3A_114 : vector<16xf32>
      %swap3A = arith.index_cast %add3A_39 : i32 to index
      %swap3A_116 = tpu.vector_load %arg17[%swap3A] {strides = array<i32>} : memref<1008xf32, #tpu.memory_space<vmem>>, vector<16xf32>,
      tpu.vector_store %arg17[%swap3A], %add3A_115 {strides = array<i32>} : memref<1008xf32, #tpu.memory_space<vmem>>, vector<16xf32>,
    }
    %scan3A_34 = arith.constant 63 : i32
    "tpu.region"() ({
      %run_scoped3A = tpu.sem_alloc : memref<!tpu.dma_semaphore, #tpu.memory_space<semaphore_mem>>
      %dma_start3A_35 = arith.constant 0 : i32
      %dma_start3A_36 = tpu.memref_slice %arg8[%add3A, %dma_start3A_35] : memref<32x1008xf32, #tpu.memory_space<hbm>> -> memref<1x1008xf32, #tpu.memory_space<hbm>>
      %dma_start3A_37 = tpu.memref_squeeze %dma_start3A_36 : memref<1x1008xf32, #tpu.memory_space<hbm>> -> memref<1008xf32, #tpu.memory_space<hbm>>
      %dma_start3A_38 = arith.constant 0 : i32
      %dma_start3A_39 = tpu.memref_slice %arg8[%add3A, %dma_start3A_38] : memref<32x1008xf32, #tpu.memory_space<hbm>> -> memref<1x1008xf32, #tpu.memory_space<hbm>>
      %dma_start3A_40 = tpu.memref_squeeze %dma_start3A_39 : memref<1x1008xf32, #tpu.memory_space<hbm>> -> memref<1008xf32, #tpu.memory_space<hbm>>
      tpu.enqueue_dma source(%arg17 : memref<1008xf32, #tpu.memory_space<vmem>>) target(%dma_start3A_40 : memref<1008xf32, #tpu.memory_space<hbm>>) target_semaphore(%run_scoped3A : memref<!tpu.dma_semaphore, #tpu.memory_space<semaphore_mem>>)
      %dma_wait3A = arith.constant 0 : i32
      %dma_wait3A_41 = tpu.memref_slice %arg8[%add3A, %dma_wait3A] : memref<32x1008xf32, #tpu.memory_space<hbm>> -> memref<1x1008xf32, #tpu.memory_space<hbm>>
      %dma_wait3A_42 = tpu.memref_squeeze %dma_wait3A_41 : memref<1x1008xf32, #tpu.memory_space<hbm>> -> memref<1008xf32, #tpu.memory_space<hbm>>
      %dma_wait3A_43 = arith.constant 0 : i32
      %dma_wait3A_44 = tpu.memref_slice %arg8[%add3A, %dma_wait3A_43] : memref<32x1008xf32, #tpu.memory_space<hbm>> -> memref<1x1008xf32, #tpu.memory_space<hbm>>
      %dma_wait3A_45 = tpu.memref_squeeze %dma_wait3A_44 : memref<1x1008xf32, #tpu.memory_space<hbm>> -> memref<1008xf32, #tpu.memory_space<hbm>>
      tpu.wait_dma2 semaphore(%run_scoped3A : memref<!tpu.dma_semaphore, #tpu.memory_space<semaphore_mem>>) src(%arg17 : memref<1008xf32, #tpu.memory_space<vmem>>) dst(%dma_wait3A_45 : memref<1008xf32, #tpu.memory_space<hbm>>)
      tpu.yield
    }) : () -> ()
    return
  }
}

</mosaic_0001>

<sc_bundles>
// kernel: kernel.3.cloned.1.call-start
scs
__scs_entry_jumppad:
0x0: {  	(pc) =	sbr.rel $0x88, $3  }
0x1: {  	(tag) =	ssettag $0x0;
	lr =	simm.s32 $0x1  }
0x2: {  	[smem:$0x3F9C] =	sst lr;
	_ =	strace $0xD0000000  }
0x3: {  	_ = 	snop  }
0x4: {  	_ = 	snop  }
0x5: {  	_ = 	snop  }
0x6: {  	_ = 	snop  }
0x7: {  	_ = 	snop  }
__scs_overlays_trampoline_lowered:
0x8: {  	[smem:$0x3FAB] =	sst s0  }
0x9: {  	[smem:$0x3FAC] =	sst s1  }
0xa: {  	[smem:$0x3FAD] =	sst s2  }
0xb: {  	[smem:$0x3FAE] =	sst s3  }
0xc: {  	[smem:$0x3FAF] =	sst s4  }
0xd: {  	[smem:$0x3FB0] =	sst s5  }
0xe: {  	[smem:$0x3FB1] =	sst s6  }
0xf: {  	[smem:$0x3FB2] =	sst s7  }
0x10: {  	[smem:$0x3FB3] =	sst s8  }
0x11: {  	[smem:$0x3FB4] =	sst s9;
	s0 =	simm.s32 @!p0 $0x0  }
0x12: {  	s1 =	sld [smem:$0x3F9A];
	s0 =	simm.s32 @p0 $0x1  }
0x13: {  	[smem:$0x3FB5] =	sst s0;
	s0 =	simm.s32 @!p1 $0x0  }
0x14: {  	s2 =	sld [smem:$0x3F99];
	s0 =	simm.s32 @p1 $0x1  }
0x15: {  	[smem:$0x3FB6] =	sst s0;
	s0 =	simm.s32 @!p2 $0x0  }
0x16: {  	s3 =	sld [smem:$0x3FDB];
	s0 =	simm.s32 @p2 $0x1  }
0x17: {  	s4 =	simm.s32 $0x1BF5;
	[smem:$0x3FB8] =	sst s0  }
0x18: {  	s0 =	sld [smem:$0x3F9B];
	_ =	swait.ge [sflag:s4], $0x0  }
0x19: {  	s7 =	sld [smem:$0x3F9C]  }
0x1a: {  	s8 =	sadd.s32 $0xFFFFE003, lr  }
0x1b: {  	s9 =	sadd.s32 $0xFFFFFEF7, lr;
	s5 =	simm.s32 $0xFFFFFFFF;
	p2 =	slt.u32 s8, $0xFFFFF086  }
0x1c: {  	p1 =	slt.u32 s9, $0xF7A;
	s5 =	simm.s32 @!p2 $0x0  }
0x1d: {  	s5 =	simm.s32 @p1 $0x1;
	p0 =	seq.s32 s7, s2  }
0x1e: {  	s7 =	smul.u32 @!p0 $0xF7A, s2;
	p2 =	seq.s32 @!p0 s5, $0x0  }
0x1f: {  	s9 =	smul.u32 $0xF7A, s1;
	s8 =	simm.s32 @!p0 $0x1BF5;
	p2 =	por !p2, p0  }
0x20: {  	[sflag:s8] =	ssyncset.s32 @!p0 $0xFFFFF086;
	s6 =	sadd.s32 @!p0 s3, s7;
	s7 =	simm.s32 @!p0 $0x108  }
0x21: {  	s3 =	sadd.s32 s3, s9;
	s6 =	sadd.s32 @!p0 $0x88, s6;
	s7 =	simm.s32 @p2 $0x1082  }
0x22: {  	[simem:s7], [sflag:s8] =	dma.local @!p0 [hbm:s6], $0xF7A  }
0x23: {  	s9 =	sor.u32 $0xD0000000, s2;
	s6 =	simm.s32 $0x108;
	_ =	swait.ge @!p0 [sflag:s8], $0x0  }
0x24: {  	s3 =	sadd.s32 $0x88, s3;
	s6 =	simm.s32 @!p1 $0x1082;
	[sflag:s4] =	ssyncset.s32 $0xFFFFF086  }
0x25: {  	[simem:s6], [sflag:s4] =	dma.local [hbm:s3], $0xF7A  }
0x26: {  	[smem:$0x3F9C] =	sst s1;
	(tag) =	ssettag s2;
	_ =	strace s9  }
0x27: {  	s1 =	sld [smem:$0x3FAC]  }
0x28: {  	s2 =	sld [smem:$0x3FAD]  }
0x29: {  	s4 =	sld [smem:$0x3FAF]  }
0x2a: {  	p0 =	seq.s32 s5, $0x0;
	s5 =	sld [smem:$0x3FB0]  }
0x2b: {  	s6 =	sld [smem:$0x3FB1]  }
0x2c: {  	s7 =	sld [smem:$0x3FB2]  }
0x2d: {  	s3 =	simm.s32 $0x108;
	s8 =	sld [smem:$0x3FB3]  }
0x2e: {  	s3 =	simm.s32 @!p0 $0x1082;
	s9 =	sld [smem:$0x3FB4]  }
0x2f: {  	lr =	sadd.s32 s0, s3;
	s0 =	sld [smem:$0x3FAB]  }
0x30: {  	s3 =	sld [smem:$0x3FAE]  }
0x31: {  	[smem:$0x3FB7] =	sst s10  }
0x32: {  	s10 =	sld [smem:$0x3FB5];
	_ =	sdelay $0x3  }
0x33: {  	p0 =	seq.s32 s10, $0x1;
	s10 =	sld [smem:$0x3FB7];
	_ =	sdelay $0x3  }
0x34: {  	[smem:$0x3FB7] =	sst s10  }
0x35: {  	s10 =	sld [smem:$0x3FB6];
	_ =	sdelay $0x3  }
0x36: {  	p1 =	seq.s32 s10, $0x1;
	s10 =	sld [smem:$0x3FB7];
	_ =	sdelay $0x3  }
0x37: {  	[smem:$0x3FB7] =	sst s10  }
0x38: {  	s10 =	sld [smem:$0x3FB8]  }
0x39: {  	_ = 	snop;
	(pc) =	sbr.ind lr, $3  }
0x3a: {  	_ = 	snop  }
0x3b: {  	_ = 	snop  }
0x3c: {  	p2 =	seq.s32 s10, $0x1;
	s10 =	sld [smem:$0x3FB7]  }
0x3d: {  	_ =	shalt  }
0x3e: {  	_ =	shalt  }
0x3f: {  	_ =	shalt  }
0x40: {  	_ =	shalt  }
0x41: {  	_ =	shalt  }
0x42: {  	_ =	shalt  }
0x43: {  	_ =	shalt  }
0x44: {  	_ =	shalt  }
0x45: {  	_ =	shalt  }
0x46: {  	_ =	shalt  }
0x47: {  	_ =	shalt  }
0x48: {  	_ =	shalt  }
0x49: {  	_ =	shalt  }
0x4a: {  	_ =	shalt  }
0x4b: {  	_ =	shalt  }
0x4c: {  	_ =	shalt  }
0x4d: {  	_ =	shalt  }
0x4e: {  	_ =	shalt  }
0x4f: {  	_ =	shalt  }
0x50: {  	_ =	shalt  }
0x51: {  	_ =	shalt  }
0x52: {  	_ =	shalt  }
0x53: {  	_ =	shalt  }
0x54: {  	_ =	shalt  }
0x55: {  	_ =	shalt  }
0x56: {  	_ =	shalt  }
0x57: {  	_ =	shalt  }
0x58: {  	_ =	shalt  }
0x59: {  	_ =	shalt  }
0x5a: {  	_ =	shalt  }
0x5b: {  	_ =	shalt  }
0x5c: {  	_ =	shalt  }
0x5d: {  	_ =	shalt  }
0x5e: {  	_ =	shalt  }
0x5f: {  	_ =	shalt  }
0x60: {  	_ =	shalt  }
0x61: {  	_ =	shalt  }
0x62: {  	_ =	shalt  }
0x63: {  	_ =	shalt  }
0x64: {  	_ =	shalt  }
0x65: {  	_ =	shalt  }
0x66: {  	_ =	shalt  }
0x67: {  	_ =	shalt  }
0x68: {  	_ =	shalt  }
0x69: {  	_ =	shalt  }
0x6a: {  	_ =	shalt  }
0x6b: {  	_ =	shalt  }
0x6c: {  	_ =	shalt  }
0x6d: {  	_ =	shalt  }
0x6e: {  	_ =	shalt  }
0x6f: {  	_ =	shalt  }
0x70: {  	_ =	shalt  }
0x71: {  	_ =	shalt  }
0x72: {  	_ =	shalt  }
0x73: {  	_ =	shalt  }
0x74: {  	_ =	shalt  }
0x75: {  	_ =	shalt  }
0x76: {  	_ =	shalt  }
0x77: {  	_ =	shalt  }
0x78: {  	_ =	shalt  }
0x79: {  	_ =	shalt  }
0x7a: {  	_ =	shalt  }
0x7b: {  	_ =	shalt  }
0x7c: {  	_ =	shalt  }
0x7d: {  	_ =	shalt  }
0x7e: {  	_ =	shalt  }
0x7f: {  	_ =	shalt  }
0x80: {  	_ =	shalt  }
0x81: {  	_ =	shalt  }
0x82: {  	_ =	shalt  }
0x83: {  	_ =	shalt  }
0x84: {  	_ =	shalt  }
0x85: {  	_ =	shalt  }
0x86: {  	_ =	shalt  }
0x87: {  	_ =	shalt  }
.Lfunc_end0:
.L_simem_size_0:
called_computation_lowered:
.L_overlay_start_0:
0x88: {  	s2 =	sld [smem:$0x3FD9]  }
0x89: {  	s3 =	sld [smem:$0x3FFE];
	_ =	sdelay $0x1  }
0x8a: {  	s1 =	srdreg.scid  }
0x8b: {  	s0 =	sand.u32 $0x1, s1  }
0x8c: {  	s17 =	sshll.u32 s0, $0xA;
	s2 =	sadd.s32 s3, s2  }
0x8d: {  	s2 =	sadd.s32 s2, s17  }
0x8e: {  	[smem:$0x3FC3] =	sst s2  }
0x8f: {  	_ = 	snop  }
0x90: {  	s2 =	sld [smem:$0x3FD0];
	(tm) =	ssettm $0x1  }
0x91: {  	s18 =	sld [smem:$0x3FFB];
	_ =	sdelay $0x3  }
0x92: {  	_ =	strace s18  }
0x93: {  	s3 =	sld [smem:$0x3FFC];
	_ =	sdelay $0x3  }
0x94: {  	_ =	strace s3  }
0x95: {  	s3 =	sld [smem:$0x3FFD];
	_ =	sdelay $0x3  }
0x96: {  	_ =	strace s3  }
0x97: {  	_ =	strace $0x8FFFFFFF  }
0x98: {  	s19 =	sld [smem:$0x3FDB];
	_ =	sdelay $0x1  }
0x99: {  	s4 =	simm.s32 $_scs_section_size  }
0x9a: {  	s5 =	simm.s32 $_size__tile_overlayer_lowered;
	s6 =	simm.s32 $_tile_overlayer_lowered  }
0x9b: {  	s22 =	simm.s32 $0x1BFF;
	s21 =	sshll.u32 s6, $0x1;
	s3 =	sadd.s32 s4, s19  }
0x9c: {  	s7 =	simm.s32 $0x0;
	s20 =	sshll.u32 s5, $0x1;
	s5 =	sadd.s32 s21, s3  }
0x9d: {  	[timem:s7], [sflag:s22] =	dma.local [hbm:s5], s20  }
0x9e: {  	_ =	swait.ge [sflag:s22], s20  }
0x9f: {  	s4 =	ssub.s32 $0x0, s20;
	[sflag:s22] =	ssyncset.done $0x0  }
0xa0: {  	[sflag:s22] =	ssyncadd.s32 s4;
	_ =	sdelay $0x1  }
0xa1: {  	s23 =	simm.s32 $0x1B8B  }
0xa2: {  	_ =	swait.ge [sflag:s23], $0x1  }
0xa3: {  	[sflag:s23] =	ssyncset.done $0x0  }
0xa4: {  	s25 =	simm.s32 $0x1B8E;
	s24 =	sld [smem:$0x3FFE];
	[sflag:s23] =	ssyncadd.s32 $0xFFFFFFFF  }
0xa5: {  	s26 =	simm.s32 $execute0_lowered;
	[smem:$0x3FD2] =	sst s25  }
0xa6: {  	s5 =	sshll.u32 s26, $0x1;
	_ =	strace $0x80000046;
	[dreg:$0x1] =	wrdreg $0xFFFFFFFF  }
0xa7: {  	s28 =	simm.s32 $_size_execute0_lowered;
	s3 =	sadd.s32 s3, s5;
	[dreg:$0x0] =	wrdreg $0x0  }
0xa8: {  	s5 =	sshll.u32 s28, $0x1;
	[dreg:$0x2] =	wrdreg s3  }
0xa9: {  	[dreg:$0x3] =	wrdreg s5  }
0xaa: {  	[dreg:$0x4] =	wrdreg $0xC0  }
0xab: {  	_ =	task [dreg:s7], $0x5FFFF  }
0xac: {  	[dreg:$0x1] =	wrdreg $0xFFFFFFFF  }
0xad: {  	[dreg:$0x0] =	wrdreg $0x60  }
0xae: {  	[dreg:$0x2] =	wrdreg s24  }
0xaf: {  	[dreg:$0x3] =	wrdreg s2  }
0xb0: {  	[dreg:$0x4] =	wrdreg $0x9  }
0xb1: {  	_ =	task.clear_ibuf [dreg:s7], $0x5FFFF;
	_ =	strace $0x90000046  }
0xb2: {  	s29 =	simm.s32 $0x9;
	_ =	strace $0x80000048  }
0xb3: {  	_ =	swait.ge [sflag:s29], $0x1  }
0xb4: {  	[sflag:s29] =	ssyncadd.s32 $0xFFFFFFFF  }
0xb5: {  	_ =	strace $0x90000048  }
0xb6: {  	_ =	sfence  }
0xb7: {  	s30 =	sld [smem:$0x0];
	_ =	sdelay $0x2  }
0xb8: {  	s31 =	sshll.u32 s1, $0xD;
	s1 =	sshrl.u32 s1, $0x2  }
0xb9: {  	s3 =	sand.u32 $0x4000, s31;
	s1 =	sadd.s32 s1, s30  }
0xba: {  	s0 =	sor.u32 s3, s0;
	s1 =	sshll.u32 s1, $0x11  }
0xbb: {  	s0 =	sor.u32 s1, s0  }
0xbc: {  	s0 =	sadd.s32 $0x8F2B, s0  }
0xbd: {  	[sflag:s0] =	ssyncadd.remote.s32 $0x1  }
0xbe: {  	_ =	sfence.sel $0xFFFF  }
0xbf: {  	[dreg:$0x0] =	wrdreg $0xFFFFFFFF;
	(pc) =	sbr.abs _section_cstart, $3  }
0xc0: {  	[dreg:$0x1] =	wrdreg $0xFFFFFFFF  }
0xc1: {  	_ =	task.clear_ibuf [dreg:s7], $0x2FFFF;
	_ =	strace $0x9FFFFFFF  }
0xc2: {  	(tm) =	ssettm $0x7FFFFFFF  }
0xc3: {  	_ =	shalt  }
tec
execute0_lowered:
.L_overlay_start_1:
0x0: {  	(tag) =	ssettag $0x1  }
0x1: {  	s0 =	rddreg [dreg:$0x0];
	s2 =	simm.s32 $0x0  }
0x2: {  	s1 =	srdreg.scid;
	s8 =	stileid.u32;
	s28 =	simm.s32 $0x1  }
0x3: {  	s29 =	simm.s32 $0x19F00;
	s30 =	simm.s32 $0x1A700;
	s31 =	simm.s32 $0x1AF00  }
0x4: {  	[smem:$0x7FF] =	sst s2;
	s1 =	sand.u32 $0x1, s1;
	s4 =	sadd.s32 $0xA00, s0  }
0x5: {  	s5 =	sadd.s32 $0x3C00, s0;
	s6 =	sadd.s32 $0x67C00, s0;
	s7 =	sadd.s32 $0xCBC00, s0  }
0x6: {  	s9 =	sadd.s32 $0x12FC00, s0;
	s20 =	sshll.u32 s8, $0x4;
	s10 =	sshll.u32 s8, $0x8  }
0x7: {  	s18 =	smul.u32 $0x320, s8;
	_ =	strace $0x80000047;
	[dreg:$0x3] =	wrdreg s4  }
0x8: {  	s26 =	smul.u32 $0x3200, s8;
	s3 =	sshll.u32 s1, $0x4;
	[dreg:$0x4] =	wrdreg s9  }
0x9: {  	s9 =	sand.u32 $0x70, s20;
	s11 =	ssub.s32 $0x2, s1;
	s17 =	smul.u32 $0x3200, s1  }
0xa: {  	s1 =	smul.u32 $0x32000, s1;
	s20 =	simm.s32 $0x3;
	s3 =	sor.u32 s8, s3  }
0xb: {  	s0 =	sadd.s32 s9, s0;
	s21 =	sshrl.u32 s11, $0x1;
	s19 =	smul.u32 $0x19000, s3  }
0xc: {  	s13 =	ssub.s32 s11, s21;
	s12 =	smul.u32 $0x32, s3;
	s3 =	sshll.u32 s3, $0x7  }
0xd: {  	s17 =	sadd.s32 s18, s17;
	s18 =	sadd.s32 s26, s1;
	s4 =	sor.u32 s10, s19  }
0xe: {  	s26 =	simm.s32 $0x19700;
	s1 =	simm.s32 $0x0;
	s4 =	sand.u32 $0x3FC300, s4  }
0xf: {  	s3 =	sand.u32 $0xC00, s3;
	s23 =	sadd.s32 $0x30, s12;
	s4 =	sshrl.u32 s4, $0x3  }
0x10: {  	s13 =	smax.u32 s13, $0x1;
	s12 =	sshll.u32 s23, $0x8;
	s22 =	sadd.s32 s5, s4  }
0x11: {  	s10 =	sadd.s32 s6, s4;
	s11 =	sadd.s32 s7, s4;
	s4 =	sshll.u32 s23, $0x4  }
0x12: {  	s0 =	sadd.s32 s3, s0;
	s12 =	sand.u32 $0xFF800, s12;
	s4 =	sand.u32 $0x60, s4  }
0x13: {  	s23 =	simm.s32 $0x400;
	[dreg:$0x5] =	wrdreg s22;
	s24 =	sor.u32 s12, s4  }
0x14: {  	s22 =	simm.s32 $0x80;
	s12 =	sadd.s32 $0x12FE00, s0;
	s25 =	sor.u32 $0x10, s24  }
0x15: {  	s0 =	simm.s32 $0x2;
	s24 =	simm.s32 $0x18700;
	s14 =	sadd.s32 s5, s25  }
0x16: {  	v0 =	vimm.f32 $0.0e+00;
	s15 =	sadd.s32 s6, s25;
	s16 =	sadd.s32 s7, s25;
	s25 =	simm.s32 $0x18F00  }
.LBB2_1:
0x17: {  	s3 =	rddreg [dreg:$0x1];
	s4 =	simm.s32 $0x1FA00  }
0x18: {  	[tilespmem:s4], [sflag:$0x3] =	stream.linear.gather [hbm4b:s3+s2], $0x80, $0x38;
	[tilespmem:$0x1FB00] =	vst v63  }
0x19: {  	_ =	swait.ge [sflag:s20], $0x80  }
0x1a: {  	[sflag:s20] =	ssyncset.done $0x0  }
0x1b: {  	s19 =	simm.s32 $0x1FA80;
	s9 =	rddreg [dreg:$0x4];
	[sflag:s20] =	ssyncadd.s32 $0xFFFFFF80  }
0x1c: {  	[tilespmem:s19], [sflag:$0x3] =	stream.linear.gather [hbm4b:s9+s2], $0x80, $0x38;
	[tilespmem:$0x1FB00] =	vst v63  }
0x1d: {  	_ =	swait.ge [sflag:s20], $0x80  }
0x1e: {  	[sflag:s20] =	ssyncset.done $0x0  }
0x1f: {  	s21 =	rddreg [dreg:$0x3];
	[sflag:s20] =	ssyncadd.s32 $0xFFFFFF80  }
0x20: {  	[tilespmem:s2], [sflag:$0x3] =	stream.linear.gather [hbm4b:s21+s2], $0x18700, $0x38;
	[tilespmem:$0x1FB00] =	vst v63  }
0x21: {  	_ =	swait.ge [sflag:s20], $0x18700  }
0x22: {  	[sflag:s20] =	ssyncset.done $0x0  }
0x23: {  	s3 =	simm.s32 $0x40;
	s4 =	simm.s32 $0x0;
	[sflag:s20] =	ssyncadd.s32 $0xFFFE7900  }
.LBB2_2:
0x24: {  	p0 =	sne.s32 s3, $0xFBC0;
	[tilespmem:s4+$0x1B700] =	vst v0;
	s4 =	smov.u32 s3;
	s3 =	sadd.s32 $0x40, s3  }
.Ltmp0:
0x25: {  	(pc) =	sbr.rel @p0 .LBB2_2-.Ltmp0, $2  }
0x26: {  	_ =	sdelay $0x2  }
0x27: {  	s4 =	sshra.s32 s4, $0x2  }
0x28: {  	[tilespmem:s4+$0x1B700] =	vst v0;
	s3 =	rddreg [dreg:$0x5]  }
0x29: {  	[tilespmem:s24], [sflag:$0x1] =	stream.strided.gather [hbm4b:s3+s22], $0x800, s23, s22, $0x38;
	[tilespmem:$0x1FB00] =	vst v63  }
0x2a: {  	_ = 	snop  }
0x2b: {  	[tilespmem:s25], [sflag:$0x1] =	stream.strided.gather [hbm4b:s10+s22], $0x800, s23, s22, $0x38;
	[tilespmem:$0x1FB00] =	vst v63  }
0x2c: {  	_ = 	snop  }
0x2d: {  	[tilespmem:s26], [sflag:$0x1] =	stream.strided.gather [hbm4b:s11+s22], $0x800, s23, s22, $0x38;
	[tilespmem:$0x1FB00] =	vst v63  }
0x2e: {  	_ =	swait.ge [sflag:s28], $0x800  }
0x2f: {  	[sflag:s28] =	ssyncset.done $0x0  }
0x30: {  	[sflag:s28] =	ssyncadd.s32 $0xFFFFF800  }
0x31: {  	_ =	swait.ge [sflag:s28], $0x800  }
0x32: {  	s4 =	sadd.s32 $0x0, s17;
	[sflag:s28] =	ssyncset.done $0x0  }
0x33: {  	s9 =	sand.u32 $0xFFFF800, s18;
	s19 =	sand.u32 $0x60, s4;
	[sflag:s28] =	ssyncadd.s32 $0xFFFFF800  }
0x34: {  	s3 =	sor.u32 s9, s19;
	_ =	swait.ge [sflag:s28], $0x800  }
0x35: {  	s3 =	sor.u32 $0x10, s3;
	[sflag:s28] =	ssyncset.done $0x0  }
0x36: {  	s21 =	sadd.s32 s5, s3;
	[sflag:s28] =	ssyncadd.s32 $0xFFFFF800  }
0x37: {  	[tilespmem:s29], [sflag:$0x2] =	stream.strided.gather [hbm4b:s21+s22], $0x800, s23, s22, $0x38;
	[tilespmem:$0x1FB00] =	vst v63  }
0x38: {  	s8 =	sadd.s32 s6, s3  }
0x39: {  	[tilespmem:s30], [sflag:$0x2] =	stream.strided.gather [hbm4b:s8+s22], $0x800, s23, s22, $0x38;
	[tilespmem:$0x1FB00] =	vst v63  }
0x3a: {  	s3 =	sadd.s32 s7, s3  }
0x3b: {  	[tilespmem:s31], [sflag:$0x2] =	stream.strided.gather [hbm4b:s3+s22], $0x800, s23, s22, $0x38;
	[tilespmem:$0x1FB00] =	vst v63  }
0x3c: {  	_ =	swait.ge [sflag:s0], $0x800  }
0x3d: {  	[sflag:s0] =	ssyncset.done $0x0  }
0x3e: {  	[sflag:s0] =	ssyncadd.s32 $0xFFFFF800  }
0x3f: {  	_ =	swait.ge [sflag:s0], $0x800  }
0x40: {  	[sflag:s0] =	ssyncset.done $0x0  }
0x41: {  	s4 =	sadd.s32 $0x20, s4;
	s3 =	sadd.s32 $0x200, s18;
	[sflag:s0] =	ssyncadd.s32 $0xFFFFF800  }
0x42: {  	s4 =	sand.u32 $0x60, s4;
	s9 =	sand.u32 $0xFFFF800, s3;
	_ =	swait.ge [sflag:s0], $0x800  }
0x43: {  	s19 =	sor.u32 s4, s9;
	[sflag:s0] =	ssyncset.done $0x0  }
0x44: {  	s4 =	sadd.s32 s5, s19;
	[sflag:s0] =	ssyncadd.s32 $0xFFFFF800  }
0x45: {  	[tilespmem:s24], [sflag:$0x1] =	stream.strided.gather [hbm4b:s4+s22], $0x800, s23, s22, $0x38;
	[tilespmem:$0x1FB00] =	vst v63  }
0x46: {  	s21 =	sadd.s32 s6, s19;
	s19 =	sadd.s32 s7, s19;
	s4 =	simm.s32 $0x20  }
0x47: {  	[tilespmem:s25], [sflag:$0x1] =	stream.strided.gather [hbm4b:s21+s22], $0x800, s23, s22, $0x38;
	[tilespmem:$0x1FB00] =	vst v63  }
.LBB2_4:
0x48: {  	[tilespmem:s26], [sflag:$0x1] =	stream.strided.gather [hbm4b:s19+s22], $0x800, s23, s22, $0x38;
	[tilespmem:$0x1FB00] =	vst v63  }
0x49: {  	s19 =	smov.u32 s4  }
0x4a: {  	p0 =	sne.s32 s4, $0x2E0;
	s4 =	sadd.s32 $0x20, s4;
	_ =	swait.ge [sflag:s28], $0x800  }
0x4b: {  	[sflag:s28] =	ssyncset.done $0x0  }
0x4c: {  	[sflag:s28] =	ssyncadd.s32 $0xFFFFF800  }
0x4d: {  	s21 =	sand.u32 $0xFFFF800, s3;
	_ =	swait.ge [sflag:s28], $0x800  }
0x4e: {  	s3 =	sadd.s32 $0x200, s3;
	s19 =	sadd.s32 s19, s17;
	[sflag:s28] =	ssyncset.done $0x0  }
0x4f: {  	s9 =	sand.u32 $0xFFFF800, s3;
	s8 =	sand.u32 $0x60, s19;
	[sflag:s28] =	ssyncadd.s32 $0xFFFFF800  }
0x50: {  	s19 =	sadd.s32 $0x20, s19;
	s8 =	sor.u32 s21, s8;
	_ =	swait.ge [sflag:s28], $0x800  }
0x51: {  	s19 =	sand.u32 $0x60, s19;
	s8 =	sor.u32 $0x10, s8;
	[sflag:s28] =	ssyncset.done $0x0  }
0x52: {  	s9 =	sor.u32 s19, s9;
	s21 =	sadd.s32 s5, s8;
	[sflag:s28] =	ssyncadd.s32 $0xFFFFF800  }
0x53: {  	[tilespmem:s29], [sflag:$0x2] =	stream.strided.gather [hbm4b:s21+s22], $0x800, s23, s22, $0x38;
	[tilespmem:$0x1FB00] =	vst v63  }
0x54: {  	s19 =	sadd.s32 s6, s8  }
0x55: {  	[tilespmem:s30], [sflag:$0x2] =	stream.strided.gather [hbm4b:s19+s22], $0x800, s23, s22, $0x38;
	[tilespmem:$0x1FB00] =	vst v63  }
0x56: {  	s8 =	sadd.s32 s7, s8  }
0x57: {  	[tilespmem:s31], [sflag:$0x2] =	stream.strided.gather [hbm4b:s8+s22], $0x800, s23, s22, $0x38;
	[tilespmem:$0x1FB00] =	vst v63  }
0x58: {  	_ =	swait.ge [sflag:s0], $0x800  }
0x59: {  	[sflag:s0] =	ssyncset.done $0x0  }
0x5a: {  	[sflag:s0] =	ssyncadd.s32 $0xFFFFF800  }
0x5b: {  	_ =	swait.ge [sflag:s0], $0x800  }
0x5c: {  	[sflag:s0] =	ssyncset.done $0x0  }
0x5d: {  	[sflag:s0] =	ssyncadd.s32 $0xFFFFF800  }
0x5e: {  	_ =	swait.ge [sflag:s0], $0x800  }
0x5f: {  	[sflag:s0] =	ssyncset.done $0x0  }
.Ltmp1:
0x60: {  	s8 =	sadd.s32 s5, s9;
	[sflag:s0] =	ssyncadd.s32 $0xFFFFF800;
	(pc) =	sbr.rel @p0 .LBB2_4-.Ltmp1, $4  }
0x61: {  	[tilespmem:s24], [sflag:$0x1] =	stream.strided.gather [hbm4b:s8+s22], $0x800, s23, s22, $0x38;
	[tilespmem:$0x1FB00] =	vst v63  }
0x62: {  	s8 =	sadd.s32 s6, s9  }
0x63: {  	[tilespmem:s25], [sflag:$0x1] =	stream.strided.gather [hbm4b:s8+s22], $0x800, s23, s22, $0x38;
	[tilespmem:$0x1FB00] =	vst v63  }
0x64: {  	s19 =	sadd.s32 s7, s9  }
0x65: {  	[tilespmem:s26], [sflag:$0x1] =	stream.strided.gather [hbm4b:s19+s22], $0x800, s23, s22, $0x38;
	[tilespmem:$0x1FB00] =	vst v63  }
0x66: {  	_ =	swait.ge [sflag:s28], $0x800  }
0x67: {  	[sflag:s28] =	ssyncset.done $0x0  }
0x68: {  	[sflag:s28] =	ssyncadd.s32 $0xFFFFF800  }
0x69: {  	_ =	swait.ge [sflag:s28], $0x800  }
0x6a: {  	[sflag:s28] =	ssyncset.done $0x0  }
0x6b: {  	[sflag:s28] =	ssyncadd.s32 $0xFFFFF800  }
0x6c: {  	_ =	swait.ge [sflag:s28], $0x800  }
0x6d: {  	[sflag:s28] =	ssyncset.done $0x0  }
0x6e: {  	[sflag:s28] =	ssyncadd.s32 $0xFFFFF800  }
0x6f: {  	[tilespmem:s29], [sflag:$0x2] =	stream.strided.gather [hbm4b:s14+s22], $0x800, s23, s22, $0x38;
	[tilespmem:$0x1FB00] =	vst v63  }
0x70: {  	_ = 	snop  }
0x71: {  	[tilespmem:s30], [sflag:$0x2] =	stream.strided.gather [hbm4b:s15+s22], $0x800, s23, s22, $0x38;
	[tilespmem:$0x1FB00] =	vst v63  }
0x72: {  	_ = 	snop  }
0x73: {  	[tilespmem:s31], [sflag:$0x2] =	stream.strided.gather [hbm4b:s16+s22], $0x800, s23, s22, $0x38;
	[tilespmem:$0x1FB00] =	vst v63  }
0x74: {  	_ =	swait.ge [sflag:s0], $0x800  }
0x75: {  	[sflag:s0] =	ssyncset.done $0x0  }
0x76: {  	[sflag:s0] =	ssyncadd.s32 $0xFFFFF800  }
0x77: {  	_ =	swait.ge [sflag:s0], $0x800  }
0x78: {  	[sflag:s0] =	ssyncset.done $0x0  }
0x79: {  	[sflag:s0] =	ssyncadd.s32 $0xFFFFF800  }
0x7a: {  	_ =	swait.ge [sflag:s0], $0x800  }
0x7b: {  	[sflag:s0] =	ssyncset.done $0x0  }
0x7c: {  	s3 =	simm.s32 $0x1DA70;
	[sflag:s0] =	ssyncadd.s32 $0xFFFFF800  }
0x7d: {  	v1 =	vld [tilespmem:s3+$0xFFFFE080]  }
0x7e: {  	v2 =	vld [tilespmem:s3+$0xFFFFDC90];
	_ =	sdelay $0x1  }
0x7f: {  	v3 =	vld [tilespmem:s3+$0xFFFFE470];
	_ =	sdelay $0x1  }
0x80: {  	v4 =	vld [tilespmem:s3+$0xFFFFE860]  }
0x81: {  	v1 =	vadd.f32 v1, v2  }
0x82: {  	v2 =	vld [tilespmem:s3+$0xFFFFEC50]  }
0x83: {  	v1 =	vadd.f32 v3, v1  }
0x84: {  	v3 =	vld [tilespmem:s3+$0xFFFFF040]  }
0x85: {  	v1 =	vadd.f32 v4, v1  }
0x86: {  	v60 =	vld [tilespmem:s3+$0xFFFFF430]  }
0x87: {  	v1 =	vadd.f32 v2, v1  }
0x88: {  	s4 =	simm.s32 $0x0;
	v2 =	vld [tilespmem:s3+$0xFFFFF820]  }
0x89: {  	s4 =	sand.u32 $0x3F0, s4;
	v1 =	vadd.f32 v3, v1  }
0x8a: {  	v3 =	vld [tilespmem:s4+$0x1D680]  }
0x8b: {  	v1 =	vadd.f32 v60, v1  }
0x8c: {  	v61 =	vld [tilespmem:s3+$0x0]  }
0x8d: {  	v1 =	vadd.f32 v2, v1  }
0x8e: {  	v2 =	vld [tilespmem:s3+$0x3F0]  }
0x8f: {  	v1 =	vadd.f32 v3, v1  }
0x90: {  	v3 =	vld [tilespmem:s3+$0x7E0]  }
0x91: {  	v1 =	vadd.f32 v61, v1  }
0x92: {  	v62 =	vld [tilespmem:s3+$0xBD0]  }
0x93: {  	v1 =	vadd.f32 v2, v1  }
0x94: {  	v2 =	vld [tilespmem:s3+$0xFC0]  }
0x95: {  	v1 =	vadd.f32 v3, v1  }
0x96: {  	v3 =	vld [tilespmem:s3+$0x13B0]  }
0x97: {  	v1 =	vadd.f32 v62, v1  }
0x98: {  	v63 =	vld [tilespmem:s3+$0x17A0]  }
0x99: {  	v1 =	vadd.f32 v2, v1;
	_ =	sdelay $0x1  }
0x9a: {  	v1 =	vadd.f32 v3, v1;
	_ =	sdelay $0x1  }
0x9b: {  	v1 =	vadd.f32 v63, v1  }
0x9c: {  	s19 =	simm.s32 $0x1F600  }
0x9d: {  	s21 =	simm.s32 $0x1DA80;
	[tilespmem:s19+$0x0] =	vst v1  }
0x9e: {  	v1 =	vld [tilespmem:s21+$0xFFFFE080]  }
0x9f: {  	s4 =	simm.s32 $0x20;
	s3 =	simm.s32 $0x10;
	v2 =	vld [tilespmem:s21+$0xFFFFDC90]  }
.LBB2_6:
0xa0: {  	p0 =	sne.s32 s4, $0x3E0  }
0xa1: {  	v3 =	vld [tilespmem:s21+$0xFFFFE470];
	_ =	sdelay $0x1  }
0xa2: {  	v4 =	vld [tilespmem:s21+$0xFFFFE860]  }
0xa3: {  	v1 =	vadd.f32 v1, v2  }
0xa4: {  	v2 =	vld [tilespmem:s21+$0xFFFFEC50]  }
0xa5: {  	v1 =	vadd.f32 v3, v1  }
0xa6: {  	v3 =	vld [tilespmem:s21+$0xFFFFF040]  }
0xa7: {  	v1 =	vadd.f32 v4, v1  }
0xa8: {  	v4 =	vld [tilespmem:s21+$0xFFFFF430]  }
0xa9: {  	v1 =	vadd.f32 v2, v1  }
0xaa: {  	v2 =	vld [tilespmem:s21+$0xFFFFF820]  }
0xab: {  	s8 =	sand.u32 $0x3F0, s3;
	s3 =	smov.u32 s4;
	v1 =	vadd.f32 v3, v1  }
0xac: {  	v3 =	vld [tilespmem:s8+$0x1D680]  }
0xad: {  	v1 =	vadd.f32 v4, v1  }
0xae: {  	v4 =	vld [tilespmem:s21+$0x0]  }
0xaf: {  	v1 =	vadd.f32 v2, v1  }
0xb0: {  	v2 =	vld [tilespmem:s21+$0x3F0]  }
0xb1: {  	v1 =	vadd.f32 v3, v1  }
0xb2: {  	v3 =	vld [tilespmem:s21+$0x7E0]  }
0xb3: {  	v1 =	vadd.f32 v4, v1  }
0xb4: {  	v4 =	vld [tilespmem:s21+$0xBD0]  }
0xb5: {  	v1 =	vadd.f32 v2, v1  }
0xb6: {  	v2 =	vld [tilespmem:s21+$0xFC0]  }
0xb7: {  	v1 =	vadd.f32 v3, v1  }
0xb8: {  	v3 =	vld [tilespmem:s21+$0x13B0]  }
0xb9: {  	v1 =	vadd.f32 v4, v1  }
0xba: {  	v4 =	vld [tilespmem:s21+$0x17A0]  }
0xbb: {  	v1 =	vadd.f32 v2, v1;
	_ =	sdelay $0x1  }
0xbc: {  	v1 =	vadd.f32 v3, v1;
	_ =	sdelay $0x1  }
.Ltmp2:
0xbd: {  	v1 =	vadd.f32 v4, v1;
	(pc) =	sbr.rel @p0 .LBB2_6-.Ltmp2, $4  }
0xbe: {  	s19 =	sadd.s32 $0x10, s19  }
0xbf: {  	s21 =	sadd.s32 $0x10, s21;
	[tilespmem:s19+$0x0] =	vst v1  }
0xc0: {  	v1 =	vld [tilespmem:s21+$0xFFFFE080]  }
0xc1: {  	s4 =	sadd.s32 $0x10, s4;
	v2 =	vld [tilespmem:s21+$0xFFFFDC90]  }
0xc2: {  	_ = 	snop  }
0xc3: {  	v3 =	vld [tilespmem:s21+$0xFFFFE470];
	_ =	sdelay $0x1  }
0xc4: {  	v4 =	vld [tilespmem:s21+$0xFFFFE860]  }
0xc5: {  	v1 =	vadd.f32 v1, v2  }
0xc6: {  	v2 =	vld [tilespmem:s21+$0xFFFFEC50]  }
0xc7: {  	v1 =	vadd.f32 v3, v1  }
0xc8: {  	v3 =	vld [tilespmem:s21+$0xFFFFF040]  }
0xc9: {  	v1 =	vadd.f32 v4, v1  }
0xca: {  	v60 =	vld [tilespmem:s21+$0xFFFFF430]  }
0xcb: {  	v1 =	vadd.f32 v2, v1  }
0xcc: {  	v2 =	vld [tilespmem:s21+$0xFFFFF820]  }
0xcd: {  	s3 =	sand.u32 $0x3F0, s3;
	v1 =	vadd.f32 v3, v1  }
0xce: {  	v3 =	vld [tilespmem:s3+$0x1D680]  }
0xcf: {  	v1 =	vadd.f32 v60, v1  }
0xd0: {  	v61 =	vld [tilespmem:s21+$0x0]  }
0xd1: {  	v1 =	vadd.f32 v2, v1  }
0xd2: {  	v2 =	vld [tilespmem:s21+$0x3F0]  }
0xd3: {  	v1 =	vadd.f32 v3, v1  }
0xd4: {  	v3 =	vld [tilespmem:s21+$0x7E0]  }
0xd5: {  	v1 =	vadd.f32 v61, v1  }
0xd6: {  	v62 =	vld [tilespmem:s21+$0xBD0]  }
0xd7: {  	v1 =	vadd.f32 v2, v1  }
0xd8: {  	v2 =	vld [tilespmem:s21+$0xFC0]  }
0xd9: {  	v1 =	vadd.f32 v3, v1  }
0xda: {  	v3 =	vld [tilespmem:s21+$0x13B0]  }
0xdb: {  	v1 =	vadd.f32 v62, v1  }
0xdc: {  	v63 =	vld [tilespmem:s21+$0x17A0]  }
0xdd: {  	v1 =	vadd.f32 v2, v1;
	_ =	sdelay $0x1  }
0xde: {  	v1 =	vadd.f32 v3, v1;
	_ =	sdelay $0x1  }
0xdf: {  	s1 =	sadd.s32 $0x1, s1;
	v1 =	vadd.f32 v63, v1  }
0xe0: {  	s19 =	sadd.s32 $0x10, s19;
	p0 =	sne.s32 s1, s13  }
.Ltmp3:
0xe1: {  	s21 =	simm.s32 $0x1F600;
	[tilespmem:s19+$0x0] =	vst v1;
	(pc) =	sbr.rel @p0 .LBB2_1-.Ltmp3, $4  }
0xe2: {  	[hbm4b:s12+s22] =	stream.strided.scatter [tilespmem:s21], [sflag:$0x3], $0x400, s23, s22, $0x38;
	[tilespmem:$0x1FB00] =	vst v63  }
0xe3: {  	_ =	swait.ge [sflag:s20], $0x400  }
0xe4: {  	[sflag:s20] =	ssyncset.done $0x0  }
0xe5: {  	[sflag:s20] =	ssyncadd.s32 $0xFFFFFC00  }
0xe6: {  	_ =	sfence.sel $0x180000  }
0xe7: {  	[bflag:$0x0] =	sbarrier.arrive $0xFFFF  }
0xe8: {  	_ =	strace $0x90000047  }
0xe9: {  	s0 =	stileid.u32;
	[bflag:$0x2] =	sbarrier.arrive $0xFFFF  }
0xea: {  	p0 =	sne.s32 s0, $0x0;
	s0 =	rddreg [dreg:$0x2]  }
0xeb: {  	s0 =	sadd.s32 @!p0 $0x100000, s0  }
0xec: {  	[sflag:s0] =	ssyncadd.tile.s32 @!p0 $0x1;
	_ =	shalt  }
.Lfunc_end2:
_tile_overlayer_lowered:
.L_overlay_start_2:
0xed: {  	(tag) =	ssettag $0x2  }
0xee: {  	s0 =	rddreg [dreg:$0x0];
	s2 =	stileid.u32  }
0xef: {  	s1 =	rddreg [dreg:$0x1];
	p0 =	sne.s32 s2, $0x0  }
0xf0: {  	s3 =	rddreg [dreg:$0x2];
	[bflag:$0x3] =	sbarrier.arrive $0xFFFF;
	s2 =	simm.s32 @!p0 $0x1C03  }
0xf1: {  	[timem:s3], [sflag:s2] =	dma.local @!p0 [hbm:s0], s1  }
0xf2: {  	s0 =	simm.s32 @!p0 $0x3  }
0xf3: {  	_ =	swait.ge @!p0 [sflag:s0], s1  }
0xf4: {  	s1 =	ssub.s32 @!p0 $0x0, s1;
	[sflag:s0] =	ssyncset.done @!p0 $0x0  }
0xf5: {  	[sflag:s0] =	ssyncadd.s32 @!p0 s1  }
0xf6: {  	[bflag:$0x3] =	sbarrier.arrive $0xFFFF  }
0xf7: {  	_ =	shalt  }

</sc_bundles>
